<compile_context>
chip_gen: v7x
topology: tpu7x:2x2x1
jax: 0.10.2.dev20260603
libtpu: 0.0.44.dev20260713+nightly
codegen_flags: <defaults>
</compile_context>

<pallas_src>
import functools

import jax
import jax.numpy as jnp
from jax import lax
from jax.experimental import pallas as pl
from jax.experimental.pallas import tpu as pltpu
from jax.experimental.pallas import tpu_sc as plsc

ROWS = 8192
COLS = 2048
REP = 4
NC = 2
NS = 16
NW = NC * NS
ROWS_PER_W = ROWS // NW
CH = 32
NCHUNK = ROWS_PER_W // CH


def _repeat_kernel(x_hbm, out_hbm, buf, idx0, idx1, idx2, idx3, sem):
    wid = lax.axis_index("s") * NC + lax.axis_index("c")
    base0 = wid * ROWS_PER_W
    idx_refs = (idx0, idx1, idx2, idx3)

    def chunk_body(g, carry):
        base = base0 + g * CH
        pltpu.sync_copy(x_hbm.at[pl.ds(base, CH)], buf)
        for t in range(CH // 16):
            rows = base + t * 16 + lax.iota(jnp.int32, 16)
            for j in range(REP):
                idx_refs[j][pl.ds(t * 16, 16)] = rows * REP + j
        copies = [
            pltpu.async_copy(buf, out_hbm.at[idx_refs[j]], sem)
            for j in range(REP)
        ]
        for c in copies:
            c.wait()
        return carry

    lax.fori_loop(0, NCHUNK, chunk_body, 0)


@jax.jit
def _repeat_interleave(x):
    mesh = plsc.VectorSubcoreMesh(core_axis_name="c", subcore_axis_name="s")
    k = functools.partial(
        pl.kernel,
        out_type=jax.ShapeDtypeStruct((ROWS * REP, COLS), jnp.float32),
        mesh=mesh,
        scratch_types=[
            pltpu.VMEM((CH, COLS), jnp.float32),
            pltpu.VMEM((CH,), jnp.int32),
            pltpu.VMEM((CH,), jnp.int32),
            pltpu.VMEM((CH,), jnp.int32),
            pltpu.VMEM((CH,), jnp.int32),
            pltpu.SemaphoreType.DMA,
        ],
    )(_repeat_kernel)
    return k(x)


def kernel(x):
    return _repeat_interleave(x)

# --- scband reference (transcript-rebuilt; emitter-appended) ---
"""Pipeline reference for scband-repeat-interleave-49220325212652 (READ-ONLY COPY).

The authoritative reference and input builder live on the scoring server;
editing this copy changes nothing except your own understanding.
"""

import jax, jax.numpy as jnp
import numpy as np

REPEATS = 4
DIM = 0

def setup_inputs(seed: int = 0) -> dict:
    key = jax.random.key(seed)
    x = jax.random.normal(key, (8192, 2048), dtype=jnp.float32)
    return {"x": x}

def reference(x):
    # Faithful translation of torch.Tensor.repeat_interleave(repeats, dim)
    return jnp.repeat(x, REPEATS, axis=DIM)

if __name__ == "__main__":
    import jax
    _d = setup_inputs()
    print(jax.jit(kernel)(*tuple(_d.values())))

</pallas_src>

<mosaic_0001>
#map = affine_map<(d0, d1) -> (0, 0)>
module attributes {stable_mosaic.version = 14 : i64} {
  func.func @_repeat_kernel(%arg0: i32, %arg1: i32, %arg2: memref<8192x2048xf32, #tpu.memory_space<hbm>>, %arg3: memref<32768x2048xf32, #tpu.memory_space<hbm>>, %arg4: memref<32x2048xf32, #tpu.memory_space<vmem>>, %arg5: memref<32xi32, #tpu.memory_space<vmem>>, %arg6: memref<32xi32, #tpu.memory_space<vmem>>, %arg7: memref<32xi32, #tpu.memory_space<vmem>>, %arg8: memref<32xi32, #tpu.memory_space<vmem>>, %arg9: memref<!tpu.dma_semaphore, #tpu.memory_space<semaphore_mem>>) attributes {dimension_semantics = [#tpu.dimension_semantics<core_parallel>, #tpu.dimension_semantics<subcore_parallel>], iteration_bounds = array<i64: 2, 16>, scalar_prefetch = 0 : i64, scratch_operands = 6 : i64, tpu.core_type = #tpu.core_type<sc_vector_subcore>, window_params = [{transform_indices = #map}, {transform_indices = #map}]} {
    %mul3A = arith.constant 2 : i32
    %mul3A_0 = arith.muli %arg1, %mul3A : i32
    %add3A = arith.addi %mul3A_0, %arg0 : i32
    %mul3A_1 = arith.constant 256 : i32
    %mul3A_2 = arith.muli %add3A, %mul3A_1 : i32
    %scan3A = arith.constant 0 : i32
    %scan3A_3 = arith.constant 0 : i32
    %scan3A_4 = arith.constant 8 : i32
    %scan3A_5 = arith.addi %scan3A_3, %scan3A_4 : i32
    %scan3A_6 = arith.constant 1 : i32
    scf.for %scan3A_8 = %scan3A_3 to %scan3A_5 step %scan3A_6  : i32 {
      %mul3A_9 = arith.constant 32 : i32
      %mul3A_10 = arith.muli %scan3A_8, %mul3A_9 : i32
      %add3A_11 = arith.addi %mul3A_2, %mul3A_10 : i32
      "tpu.region"() ({
        %run_scoped3A = tpu.sem_alloc : memref<!tpu.dma_semaphore, #tpu.memory_space<semaphore_mem>>
        %dma_start3A_122 = arith.constant 0 : i32
        %dma_start3A_123 = tpu.memref_slice %arg2[%add3A_11, %dma_start3A_122] : memref<8192x2048xf32, #tpu.memory_space<hbm>> -> memref<32x2048xf32, #tpu.memory_space<hbm>>
        %dma_start3A_124 = arith.constant 0 : i32
        %dma_start3A_125 = tpu.memref_slice %arg2[%add3A_11, %dma_start3A_124] : memref<8192x2048xf32, #tpu.memory_space<hbm>> -> memref<32x2048xf32, #tpu.memory_space<hbm>>
        tpu.enqueue_dma source(%dma_start3A_125 : memref<32x2048xf32, #tpu.memory_space<hbm>>) target(%arg4 : memref<32x2048xf32, #tpu.memory_space<vmem>>) target_semaphore(%run_scoped3A : memref<!tpu.dma_semaphore, #tpu.memory_space<semaphore_mem>>)
        %dma_wait3A_126 = arith.constant 0 : i32
        %dma_wait3A_127 = tpu.memref_slice %arg2[%add3A_11, %dma_wait3A_126] : memref<8192x2048xf32, #tpu.memory_space<hbm>> -> memref<32x2048xf32, #tpu.memory_space<hbm>>
        %dma_wait3A_128 = arith.constant 0 : i32
        %dma_wait3A_129 = tpu.memref_slice %arg2[%add3A_11, %dma_wait3A_128] : memref<8192x2048xf32, #tpu.memory_space<hbm>> -> memref<32x2048xf32, #tpu.memory_space<hbm>>
        tpu.wait_dma2 semaphore(%run_scoped3A : memref<!tpu.dma_semaphore, #tpu.memory_space<semaphore_mem>>) src(%dma_wait3A_129 : memref<32x2048xf32, #tpu.memory_space<hbm>>) dst(%arg4 : memref<32x2048xf32, #tpu.memory_space<vmem>>)
        tpu.yield
      }) : () -> ()
      %add3A_12 = arith.constant 0 : i32
      %add3A_13 = arith.addi %add3A_11, %add3A_12 : i32
      %iota3A = tpu.iota {dimensions = array<i32: 0>} : vector<16xi32>
      %add3A_14 = vector.broadcast %add3A_13 : i32 to vector<16xi32>
      %add3A_15 = arith.addi %add3A_14, %iota3A : vector<16xi32>
      %mul3A_16 = arith.constant 4 : i32
      %mul3A_17 = vector.broadcast %mul3A_16 : i32 to vector<16xi32>
      %mul3A_18 = arith.muli %add3A_15, %mul3A_17 : vector<16xi32>
      %add3A_19 = arith.constant 0 : i32
      %add3A_20 = vector.broadcast %add3A_19 : i32 to vector<16xi32>
      %add3A_21 = arith.addi %mul3A_18, %add3A_20 : vector<16xi32>
      %swap3A = arith.constant 0 : index
      %swap3A_22 = tpu.vector_load %arg5[%swap3A] {strides = array<i32>} : memref<32xi32, #tpu.memory_space<vmem>>, vector<16xi32>,
      %swap3A_23 = vector.shape_cast %swap3A_22 : vector<16xi32> to vector<16xi32>
      %swap3A_24 = vector.shape_cast %add3A_21 : vector<16xi32> to vector<16xi32>
      tpu.vector_store %arg5[%swap3A], %swap3A_24 {strides = array<i32>} : memref<32xi32, #tpu.memory_space<vmem>>, vector<16xi32>,
      %mul3A_25 = arith.constant 4 : i32
      %mul3A_26 = vector.broadcast %mul3A_25 : i32 to vector<16xi32>
      %mul3A_27 = arith.muli %add3A_15, %mul3A_26 : vector<16xi32>
      %add3A_28 = arith.constant 1 : i32
      %add3A_29 = vector.broadcast %add3A_28 : i32 to vector<16xi32>
      %add3A_30 = arith.addi %mul3A_27, %add3A_29 : vector<16xi32>
      %swap3A_31 = arith.constant 0 : index
      %swap3A_32 = tpu.vector_load %arg6[%swap3A_31] {strides = array<i32>} : memref<32xi32, #tpu.memory_space<vmem>>, vector<16xi32>,
      %swap3A_33 = vector.shape_cast %swap3A_32 : vector<16xi32> to vector<16xi32>
      %swap3A_34 = vector.shape_cast %add3A_30 : vector<16xi32> to vector<16xi32>
      tpu.vector_store %arg6[%swap3A_31], %swap3A_34 {strides = array<i32>} : memref<32xi32, #tpu.memory_space<vmem>>, vector<16xi32>,
      %mul3A_35 = arith.constant 4 : i32
      %mul3A_36 = vector.broadcast %mul3A_35 : i32 to vector<16xi32>
      %mul3A_37 = arith.muli %add3A_15, %mul3A_36 : vector<16xi32>
      %add3A_38 = arith.constant 2 : i32
      %add3A_39 = vector.broadcast %add3A_38 : i32 to vector<16xi32>
      %add3A_40 = arith.addi %mul3A_37, %add3A_39 : vector<16xi32>
      %swap3A_41 = arith.constant 0 : index
      %swap3A_42 = tpu.vector_load %arg7[%swap3A_41] {strides = array<i32>} : memref<32xi32, #tpu.memory_space<vmem>>, vector<16xi32>,
      %swap3A_43 = vector.shape_cast %swap3A_42 : vector<16xi32> to vector<16xi32>
      %swap3A_44 = vector.shape_cast %add3A_40 : vector<16xi32> to vector<16xi32>
      tpu.vector_store %arg7[%swap3A_41], %swap3A_44 {strides = array<i32>} : memref<32xi32, #tpu.memory_space<vmem>>, vector<16xi32>,
      %mul3A_45 = arith.constant 4 : i32
      %mul3A_46 = vector.broadcast %mul3A_45 : i32 to vector<16xi32>
      %mul3A_47 = arith.muli %add3A_15, %mul3A_46 : vector<16xi32>
      %add3A_48 = arith.constant 3 : i32
      %add3A_49 = vector.broadcast %add3A_48 : i32 to vector<16xi32>
      %add3A_50 = arith.addi %mul3A_47, %add3A_49 : vector<16xi32>
      %swap3A_51 = arith.constant 0 : index
      %swap3A_52 = tpu.vector_load %arg8[%swap3A_51] {strides = array<i32>} : memref<32xi32, #tpu.memory_space<vmem>>, vector<16xi32>,
      %swap3A_53 = vector.shape_cast %swap3A_52 : vector<16xi32> to vector<16xi32>
      %swap3A_54 = vector.shape_cast %add3A_50 : vector<16xi32> to vector<16xi32>
      tpu.vector_store %arg8[%swap3A_51], %swap3A_54 {strides = array<i32>} : memref<32xi32, #tpu.memory_space<vmem>>, vector<16xi32>,
      %add3A_55 = arith.constant 16 : i32
      %add3A_56 = arith.addi %add3A_11, %add3A_55 : i32
      %iota3A_57 = tpu.iota {dimensions = array<i32: 0>} : vector<16xi32>
      %add3A_58 = vector.broadcast %add3A_56 : i32 to vector<16xi32>
      %add3A_59 = arith.addi %add3A_58, %iota3A_57 : vector<16xi32>
      %mul3A_60 = arith.constant 4 : i32
      %mul3A_61 = vector.broadcast %mul3A_60 : i32 to vector<16xi32>
      %mul3A_62 = arith.muli %add3A_59, %mul3A_61 : vector<16xi32>
      %add3A_63 = arith.constant 0 : i32
      %add3A_64 = vector.broadcast %add3A_63 : i32 to vector<16xi32>
      %add3A_65 = arith.addi %mul3A_62, %add3A_64 : vector<16xi32>
      %swap3A_66 = arith.constant 16 : index
      %swap3A_67 = tpu.vector_load %arg5[%swap3A_66] {strides = array<i32>} : memref<32xi32, #tpu.memory_space<vmem>>, vector<16xi32>,
      %swap3A_68 = vector.shape_cast %swap3A_67 : vector<16xi32> to vector<16xi32>
      %swap3A_69 = vector.shape_cast %add3A_65 : vector<16xi32> to vector<16xi32>
      tpu.vector_store %arg5[%swap3A_66], %swap3A_69 {strides = array<i32>} : memref<32xi32, #tpu.memory_space<vmem>>, vector<16xi32>,
      %mul3A_70 = arith.constant 4 : i32
      %mul3A_71 = vector.broadcast %mul3A_70 : i32 to vector<16xi32>
      %mul3A_72 = arith.muli %add3A_59, %mul3A_71 : vector<16xi32>
      %add3A_73 = arith.constant 1 : i32
      %add3A_74 = vector.broadcast %add3A_73 : i32 to vector<16xi32>
      %add3A_75 = arith.addi %mul3A_72, %add3A_74 : vector<16xi32>
      %swap3A_76 = arith.constant 16 : index
      %swap3A_77 = tpu.vector_load %arg6[%swap3A_76] {strides = array<i32>} : memref<32xi32, #tpu.memory_space<vmem>>, vector<16xi32>,
      %swap3A_78 = vector.shape_cast %swap3A_77 : vector<16xi32> to vector<16xi32>
      %swap3A_79 = vector.shape_cast %add3A_75 : vector<16xi32> to vector<16xi32>
      tpu.vector_store %arg6[%swap3A_76], %swap3A_79 {strides = array<i32>} : memref<32xi32, #tpu.memory_space<vmem>>, vector<16xi32>,
      %mul3A_80 = arith.constant 4 : i32
      %mul3A_81 = vector.broadcast %mul3A_80 : i32 to vector<16xi32>
      %mul3A_82 = arith.muli %add3A_59, %mul3A_81 : vector<16xi32>
      %add3A_83 = arith.constant 2 : i32
      %add3A_84 = vector.broadcast %add3A_83 : i32 to vector<16xi32>
      %add3A_85 = arith.addi %mul3A_82, %add3A_84 : vector<16xi32>
      %swap3A_86 = arith.constant 16 : index
      %swap3A_87 = tpu.vector_load %arg7[%swap3A_86] {strides = array<i32>} : memref<32xi32, #tpu.memory_space<vmem>>, vector<16xi32>,
      %swap3A_88 = vector.shape_cast %swap3A_87 : vector<16xi32> to vector<16xi32>
      %swap3A_89 = vector.shape_cast %add3A_85 : vector<16xi32> to vector<16xi32>
      tpu.vector_store %arg7[%swap3A_86], %swap3A_89 {strides = array<i32>} : memref<32xi32, #tpu.memory_space<vmem>>, vector<16xi32>,
      %mul3A_90 = arith.constant 4 : i32
      %mul3A_91 = vector.broadcast %mul3A_90 : i32 to vector<16xi32>
      %mul3A_92 = arith.muli %add3A_59, %mul3A_91 : vector<16xi32>
      %add3A_93 = arith.constant 3 : i32
      %add3A_94 = vector.broadcast %add3A_93 : i32 to vector<16xi32>
      %add3A_95 = arith.addi %mul3A_92, %add3A_94 : vector<16xi32>
      %swap3A_96 = arith.constant 16 : index
      %swap3A_97 = tpu.vector_load %arg8[%swap3A_96] {strides = array<i32>} : memref<32xi32, #tpu.memory_space<vmem>>, vector<16xi32>,
      %swap3A_98 = vector.shape_cast %swap3A_97 : vector<16xi32> to vector<16xi32>
      %swap3A_99 = vector.shape_cast %add3A_95 : vector<16xi32> to vector<16xi32>
      tpu.vector_store %arg8[%swap3A_96], %swap3A_99 {strides = array<i32>} : memref<32xi32, #tpu.memory_space<vmem>>, vector<16xi32>,
      %dma_start3A = arith.constant 0 : i32
      %dma_start3A_100 = arith.constant 0 : i32
      %dma_start3A_101 = tpu.memref_slice %arg3[%dma_start3A, %dma_start3A_100] : memref<32768x2048xf32, #tpu.memory_space<hbm>> -> memref<32768x2048xf32, #tpu.memory_space<hbm>>
      tpu.enqueue_indirect_dma source(%arg4 : memref<32x2048xf32, #tpu.memory_space<vmem>>) target(%dma_start3A_101 : memref<32768x2048xf32, #tpu.memory_space<hbm>>) offsets(%arg5 : memref<32xi32, #tpu.memory_space<vmem>>) semaphore(%arg9 : memref<!tpu.dma_semaphore, #tpu.memory_space<semaphore_mem>>)
      %dma_start3A_102 = arith.constant 0 : i32
      %dma_start3A_103 = arith.constant 0 : i32
      %dma_start3A_104 = tpu.memref_slice %arg3[%dma_start3A_102, %dma_start3A_103] : memref<32768x2048xf32, #tpu.memory_space<hbm>> -> memref<32768x2048xf32, #tpu.memory_space<hbm>>
      tpu.enqueue_indirect_dma source(%arg4 : memref<32x2048xf32, #tpu.memory_space<vmem>>) target(%dma_start3A_104 : memref<32768x2048xf32, #tpu.memory_space<hbm>>) offsets(%arg6 : memref<32xi32, #tpu.memory_space<vmem>>) semaphore(%arg9 : memref<!tpu.dma_semaphore, #tpu.memory_space<semaphore_mem>>)
      %dma_start3A_105 = arith.constant 0 : i32
      %dma_start3A_106 = arith.constant 0 : i32
      %dma_start3A_107 = tpu.memref_slice %arg3[%dma_start3A_105, %dma_start3A_106] : memref<32768x2048xf32, #tpu.memory_space<hbm>> -> memref<32768x2048xf32, #tpu.memory_space<hbm>>
      tpu.enqueue_indirect_dma source(%arg4 : memref<32x2048xf32, #tpu.memory_space<vmem>>) target(%dma_start3A_107 : memref<32768x2048xf32, #tpu.memory_space<hbm>>) offsets(%arg7 : memref<32xi32, #tpu.memory_space<vmem>>) semaphore(%arg9 : memref<!tpu.dma_semaphore, #tpu.memory_space<semaphore_mem>>)
      %dma_start3A_108 = arith.constant 0 : i32
      %dma_start3A_109 = arith.constant 0 : i32
      %dma_start3A_110 = tpu.memref_slice %arg3[%dma_start3A_108, %dma_start3A_109] : memref<32768x2048xf32, #tpu.memory_space<hbm>> -> memref<32768x2048xf32, #tpu.memory_space<hbm>>
      tpu.enqueue_indirect_dma source(%arg4 : memref<32x2048xf32, #tpu.memory_space<vmem>>) target(%dma_start3A_110 : memref<32768x2048xf32, #tpu.memory_space<hbm>>) offsets(%arg8 : memref<32xi32, #tpu.memory_space<vmem>>) semaphore(%arg9 : memref<!tpu.dma_semaphore, #tpu.memory_space<semaphore_mem>>)
      %dma_wait3A = arith.constant 0 : i32
      %dma_wait3A_111 = arith.constant 0 : i32
      %dma_wait3A_112 = tpu.memref_slice %arg3[%dma_wait3A, %dma_wait3A_111] : memref<32768x2048xf32, #tpu.memory_space<hbm>> -> memref<32768x2048xf32, #tpu.memory_space<hbm>>
      tpu.wait_indirect_dma semaphore(%arg9 : memref<!tpu.dma_semaphore, #tpu.memory_space<semaphore_mem>>) src(%arg4 : memref<32x2048xf32, #tpu.memory_space<vmem>>) dst(%dma_wait3A_112 : memref<32768x2048xf32, #tpu.memory_space<hbm>>)
      %dma_wait3A_113 = arith.constant 0 : i32
      %dma_wait3A_114 = arith.constant 0 : i32
      %dma_wait3A_115 = tpu.memref_slice %arg3[%dma_wait3A_113, %dma_wait3A_114] : memref<32768x2048xf32, #tpu.memory_space<hbm>> -> memref<32768x2048xf32, #tpu.memory_space<hbm>>
      tpu.wait_indirect_dma semaphore(%arg9 : memref<!tpu.dma_semaphore, #tpu.memory_space<semaphore_mem>>) src(%arg4 : memref<32x2048xf32, #tpu.memory_space<vmem>>) dst(%dma_wait3A_115 : memref<32768x2048xf32, #tpu.memory_space<hbm>>)
      %dma_wait3A_116 = arith.constant 0 : i32
      %dma_wait3A_117 = arith.constant 0 : i32
      %dma_wait3A_118 = tpu.memref_slice %arg3[%dma_wait3A_116, %dma_wait3A_117] : memref<32768x2048xf32, #tpu.memory_space<hbm>> -> memref<32768x2048xf32, #tpu.memory_space<hbm>>
      tpu.wait_indirect_dma semaphore(%arg9 : memref<!tpu.dma_semaphore, #tpu.memory_space<semaphore_mem>>) src(%arg4 : memref<32x2048xf32, #tpu.memory_space<vmem>>) dst(%dma_wait3A_118 : memref<32768x2048xf32, #tpu.memory_space<hbm>>)
      %dma_wait3A_119 = arith.constant 0 : i32
      %dma_wait3A_120 = arith.constant 0 : i32
      %dma_wait3A_121 = tpu.memref_slice %arg3[%dma_wait3A_119, %dma_wait3A_120] : memref<32768x2048xf32, #tpu.memory_space<hbm>> -> memref<32768x2048xf32, #tpu.memory_space<hbm>>
      tpu.wait_indirect_dma semaphore(%arg9 : memref<!tpu.dma_semaphore, #tpu.memory_space<semaphore_mem>>) src(%arg4 : memref<32x2048xf32, #tpu.memory_space<vmem>>) dst(%dma_wait3A_121 : memref<32768x2048xf32, #tpu.memory_space<hbm>>)
    }
    %scan3A_7 = arith.constant 8 : i32
    return
  }
}

</mosaic_0001>

<sc_bundles>
// kernel: _repeat_interleave.3.cloned.1.call-start
scs
__scs_entry_jumppad:
0x0: {  	(pc) =	sbr.rel $0x88, $3  }
0x1: {  	(tag) =	ssettag $0x0;
	lr =	simm.s32 $0x1  }
0x2: {  	[smem:$0x3FA0] =	sst lr;
	_ =	strace $0xD0000000  }
0x3: {  	_ = 	snop  }
0x4: {  	_ = 	snop  }
0x5: {  	_ = 	snop  }
0x6: {  	_ = 	snop  }
0x7: {  	_ = 	snop  }
__scs_overlays_trampoline_lowered:
0x8: {  	[smem:$0x3FAF] =	sst s0  }
0x9: {  	[smem:$0x3FB0] =	sst s1  }
0xa: {  	[smem:$0x3FB1] =	sst s2  }
0xb: {  	[smem:$0x3FB2] =	sst s3  }
0xc: {  	[smem:$0x3FB3] =	sst s4  }
0xd: {  	[smem:$0x3FB4] =	sst s5  }
0xe: {  	[smem:$0x3FB5] =	sst s6  }
0xf: {  	[smem:$0x3FB6] =	sst s7  }
0x10: {  	[smem:$0x3FB7] =	sst s8  }
0x11: {  	[smem:$0x3FB8] =	sst s9;
	s0 =	simm.s32 @!p0 $0x0  }
0x12: {  	s1 =	sld [smem:$0x3F9E];
	s0 =	simm.s32 @p0 $0x1  }
0x13: {  	[smem:$0x3FB9] =	sst s0;
	s0 =	simm.s32 @!p1 $0x0  }
0x14: {  	s2 =	sld [smem:$0x3F9D];
	s0 =	simm.s32 @p1 $0x1  }
0x15: {  	[smem:$0x3FBA] =	sst s0;
	s0 =	simm.s32 @!p2 $0x0  }
0x16: {  	s3 =	sld [smem:$0x3FDB];
	s0 =	simm.s32 @p2 $0x1  }
0x17: {  	s4 =	simm.s32 $0x1BF5;
	[smem:$0x3FBC] =	sst s0  }
0x18: {  	s0 =	sld [smem:$0x3F9F];
	_ =	swait.ge [sflag:s4], $0x0  }
0x19: {  	s7 =	sld [smem:$0x3FA0]  }
0x1a: {  	s8 =	sadd.s32 $0xFFFFE003, lr  }
0x1b: {  	s9 =	sadd.s32 $0xFFFFFEF7, lr;
	s5 =	simm.s32 $0xFFFFFFFF;
	p2 =	slt.u32 s8, $0xFFFFF086  }
0x1c: {  	p1 =	slt.u32 s9, $0xF7A;
	s5 =	simm.s32 @!p2 $0x0  }
0x1d: {  	s5 =	simm.s32 @p1 $0x1;
	p0 =	seq.s32 s7, s2  }
0x1e: {  	s7 =	smul.u32 @!p0 $0xF7A, s2;
	p2 =	seq.s32 @!p0 s5, $0x0  }
0x1f: {  	s9 =	smul.u32 $0xF7A, s1;
	s8 =	simm.s32 @!p0 $0x1BF5;
	p2 =	por !p2, p0  }
0x20: {  	[sflag:s8] =	ssyncset.s32 @!p0 $0xFFFFF086;
	s6 =	sadd.s32 @!p0 s3, s7;
	s7 =	simm.s32 @!p0 $0x108  }
0x21: {  	s3 =	sadd.s32 s3, s9;
	s6 =	sadd.s32 @!p0 $0x88, s6;
	s7 =	simm.s32 @p2 $0x1082  }
0x22: {  	[simem:s7], [sflag:s8] =	dma.local @!p0 [hbm:s6], $0xF7A  }
0x23: {  	s9 =	sor.u32 $0xD0000000, s2;
	s6 =	simm.s32 $0x108;
	_ =	swait.ge @!p0 [sflag:s8], $0x0  }
0x24: {  	s3 =	sadd.s32 $0x88, s3;
	s6 =	simm.s32 @!p1 $0x1082;
	[sflag:s4] =	ssyncset.s32 $0xFFFFF086  }
0x25: {  	[simem:s6], [sflag:s4] =	dma.local [hbm:s3], $0xF7A  }
0x26: {  	[smem:$0x3FA0] =	sst s1;
	(tag) =	ssettag s2;
	_ =	strace s9  }
0x27: {  	s1 =	sld [smem:$0x3FB0]  }
0x28: {  	s2 =	sld [smem:$0x3FB1]  }
0x29: {  	s4 =	sld [smem:$0x3FB3]  }
0x2a: {  	p0 =	seq.s32 s5, $0x0;
	s5 =	sld [smem:$0x3FB4]  }
0x2b: {  	s6 =	sld [smem:$0x3FB5]  }
0x2c: {  	s7 =	sld [smem:$0x3FB6]  }
0x2d: {  	s3 =	simm.s32 $0x108;
	s8 =	sld [smem:$0x3FB7]  }
0x2e: {  	s3 =	simm.s32 @!p0 $0x1082;
	s9 =	sld [smem:$0x3FB8]  }
0x2f: {  	lr =	sadd.s32 s0, s3;
	s0 =	sld [smem:$0x3FAF]  }
0x30: {  	s3 =	sld [smem:$0x3FB2]  }
0x31: {  	[smem:$0x3FBB] =	sst s10  }
0x32: {  	s10 =	sld [smem:$0x3FB9];
	_ =	sdelay $0x3  }
0x33: {  	p0 =	seq.s32 s10, $0x1;
	s10 =	sld [smem:$0x3FBB];
	_ =	sdelay $0x3  }
0x34: {  	[smem:$0x3FBB] =	sst s10  }
0x35: {  	s10 =	sld [smem:$0x3FBA];
	_ =	sdelay $0x3  }
0x36: {  	p1 =	seq.s32 s10, $0x1;
	s10 =	sld [smem:$0x3FBB];
	_ =	sdelay $0x3  }
0x37: {  	[smem:$0x3FBB] =	sst s10  }
0x38: {  	s10 =	sld [smem:$0x3FBC]  }
0x39: {  	_ = 	snop;
	(pc) =	sbr.ind lr, $3  }
0x3a: {  	_ = 	snop  }
0x3b: {  	_ = 	snop  }
0x3c: {  	p2 =	seq.s32 s10, $0x1;
	s10 =	sld [smem:$0x3FBB]  }
0x3d: {  	_ =	shalt  }
0x3e: {  	_ =	shalt  }
0x3f: {  	_ =	shalt  }
0x40: {  	_ =	shalt  }
0x41: {  	_ =	shalt  }
0x42: {  	_ =	shalt  }
0x43: {  	_ =	shalt  }
0x44: {  	_ =	shalt  }
0x45: {  	_ =	shalt  }
0x46: {  	_ =	shalt  }
0x47: {  	_ =	shalt  }
0x48: {  	_ =	shalt  }
0x49: {  	_ =	shalt  }
0x4a: {  	_ =	shalt  }
0x4b: {  	_ =	shalt  }
0x4c: {  	_ =	shalt  }
0x4d: {  	_ =	shalt  }
0x4e: {  	_ =	shalt  }
0x4f: {  	_ =	shalt  }
0x50: {  	_ =	shalt  }
0x51: {  	_ =	shalt  }
0x52: {  	_ =	shalt  }
0x53: {  	_ =	shalt  }
0x54: {  	_ =	shalt  }
0x55: {  	_ =	shalt  }
0x56: {  	_ =	shalt  }
0x57: {  	_ =	shalt  }
0x58: {  	_ =	shalt  }
0x59: {  	_ =	shalt  }
0x5a: {  	_ =	shalt  }
0x5b: {  	_ =	shalt  }
0x5c: {  	_ =	shalt  }
0x5d: {  	_ =	shalt  }
0x5e: {  	_ =	shalt  }
0x5f: {  	_ =	shalt  }
0x60: {  	_ =	shalt  }
0x61: {  	_ =	shalt  }
0x62: {  	_ =	shalt  }
0x63: {  	_ =	shalt  }
0x64: {  	_ =	shalt  }
0x65: {  	_ =	shalt  }
0x66: {  	_ =	shalt  }
0x67: {  	_ =	shalt  }
0x68: {  	_ =	shalt  }
0x69: {  	_ =	shalt  }
0x6a: {  	_ =	shalt  }
0x6b: {  	_ =	shalt  }
0x6c: {  	_ =	shalt  }
0x6d: {  	_ =	shalt  }
0x6e: {  	_ =	shalt  }
0x6f: {  	_ =	shalt  }
0x70: {  	_ =	shalt  }
0x71: {  	_ =	shalt  }
0x72: {  	_ =	shalt  }
0x73: {  	_ =	shalt  }
0x74: {  	_ =	shalt  }
0x75: {  	_ =	shalt  }
0x76: {  	_ =	shalt  }
0x77: {  	_ =	shalt  }
0x78: {  	_ =	shalt  }
0x79: {  	_ =	shalt  }
0x7a: {  	_ =	shalt  }
0x7b: {  	_ =	shalt  }
0x7c: {  	_ =	shalt  }
0x7d: {  	_ =	shalt  }
0x7e: {  	_ =	shalt  }
0x7f: {  	_ =	shalt  }
0x80: {  	_ =	shalt  }
0x81: {  	_ =	shalt  }
0x82: {  	_ =	shalt  }
0x83: {  	_ =	shalt  }
0x84: {  	_ =	shalt  }
0x85: {  	_ =	shalt  }
0x86: {  	_ =	shalt  }
0x87: {  	_ =	shalt  }
.Lfunc_end0:
.L_simem_size_0:
called_computation_lowered:
.L_overlay_start_0:
0x88: {  	s2 =	sld [smem:$0x3FD9]  }
0x89: {  	s3 =	sld [smem:$0x3FFE];
	_ =	sdelay $0x1  }
0x8a: {  	s1 =	srdreg.scid  }
0x8b: {  	s0 =	sand.u32 $0x1, s1  }
0x8c: {  	s18 =	sshll.u32 s0, $0xA;
	s2 =	sadd.s32 s3, s2  }
0x8d: {  	s2 =	sadd.s32 s2, s18  }
0x8e: {  	[smem:$0x3FC7] =	sst s2  }
0x8f: {  	_ = 	snop  }
0x90: {  	s2 =	sld [smem:$0x3FC9]  }
0x91: {  	s19 =	sld [smem:$0x3FD0];
	(tm) =	ssettm $0x1  }
0x92: {  	s4 =	sld [smem:$0x3FFB];
	_ =	sdelay $0x3  }
0x93: {  	_ =	strace s4  }
0x94: {  	s4 =	sld [smem:$0x3FFC];
	_ =	sdelay $0x3  }
0x95: {  	_ =	strace s4  }
0x96: {  	s4 =	sld [smem:$0x3FFD];
	_ =	sdelay $0x3  }
0x97: {  	_ =	strace s4  }
0x98: {  	_ =	strace $0x8FFFFFFF  }
0x99: {  	s20 =	sld [smem:$0x3FDB];
	_ =	sdelay $0x1  }
0x9a: {  	s5 =	simm.s32 $_scs_section_size  }
0x9b: {  	s6 =	simm.s32 $_size__tile_overlayer_lowered;
	s7 =	simm.s32 $_tile_overlayer_lowered  }
0x9c: {  	s23 =	simm.s32 $0x1BFF;
	s22 =	sshll.u32 s7, $0x1;
	s4 =	sadd.s32 s5, s20  }
0x9d: {  	s8 =	simm.s32 $0x0;
	s21 =	sshll.u32 s6, $0x1;
	s6 =	sadd.s32 s22, s4  }
0x9e: {  	[timem:s8], [sflag:s23] =	dma.local [hbm:s6], s21  }
0x9f: {  	_ =	swait.ge [sflag:s23], s21  }
0xa0: {  	s5 =	ssub.s32 $0x0, s21;
	[sflag:s23] =	ssyncset.done $0x0  }
0xa1: {  	[sflag:s23] =	ssyncadd.s32 s5;
	_ =	sdelay $0x1  }
0xa2: {  	s24 =	simm.s32 $0x1B8B  }
0xa3: {  	_ =	swait.ge [sflag:s24], $0x1  }
0xa4: {  	[sflag:s24] =	ssyncset.done $0x0  }
0xa5: {  	s25 =	simm.s32 $0x1B8E;
	[sflag:s24] =	ssyncadd.s32 $0xFFFFFFFF  }
0xa6: {  	s26 =	simm.s32 $execute0_lowered;
	[smem:$0x3FD2] =	sst s25  }
0xa7: {  	s5 =	sshll.u32 s26, $0x1;
	_ =	strace $0x80000046;
	[dreg:$0x1] =	wrdreg $0xFFFFFFFF  }
0xa8: {  	s28 =	simm.s32 $_size_execute0_lowered;
	s4 =	sadd.s32 s4, s5;
	[dreg:$0x0] =	wrdreg $0x0  }
0xa9: {  	s5 =	sshll.u32 s28, $0x1;
	[dreg:$0x2] =	wrdreg s4  }
0xaa: {  	[dreg:$0x3] =	wrdreg s5  }
0xab: {  	[dreg:$0x4] =	wrdreg $0xC0  }
0xac: {  	_ =	task [dreg:s8], $0x5FFFF  }
0xad: {  	[dreg:$0x1] =	wrdreg $0xFFFFFFFF  }
0xae: {  	[dreg:$0x0] =	wrdreg $0x60  }
0xaf: {  	[dreg:$0x2] =	wrdreg s2  }
0xb0: {  	[dreg:$0x3] =	wrdreg s19  }
0xb1: {  	[dreg:$0x4] =	wrdreg $0x9  }
0xb2: {  	_ =	task.clear_ibuf [dreg:s8], $0x5FFFF;
	_ =	strace $0x90000046  }
0xb3: {  	s29 =	simm.s32 $0x9;
	_ =	strace $0x80000048  }
0xb4: {  	_ =	swait.ge [sflag:s29], $0x1  }
0xb5: {  	[sflag:s29] =	ssyncadd.s32 $0xFFFFFFFF  }
0xb6: {  	_ =	strace $0x90000048  }
0xb7: {  	_ =	sfence  }
0xb8: {  	s30 =	sld [smem:$0x0];
	_ =	sdelay $0x2  }
0xb9: {  	s31 =	sshll.u32 s1, $0xD;
	s1 =	sshrl.u32 s1, $0x2  }
0xba: {  	s3 =	sand.u32 $0x4000, s31;
	s1 =	sadd.s32 s1, s30  }
0xbb: {  	s0 =	sor.u32 s3, s0;
	s1 =	sshll.u32 s1, $0x11  }
0xbc: {  	s0 =	sor.u32 s1, s0  }
0xbd: {  	s0 =	sadd.s32 $0x8F2B, s0  }
0xbe: {  	[sflag:s0] =	ssyncadd.remote.s32 $0x1  }
0xbf: {  	_ =	sfence.sel $0xFFFF  }
0xc0: {  	[dreg:$0x0] =	wrdreg $0xFFFFFFFF;
	(pc) =	sbr.abs _section_cstart, $3  }
0xc1: {  	[dreg:$0x1] =	wrdreg $0xFFFFFFFF  }
0xc2: {  	_ =	task.clear_ibuf [dreg:s8], $0x2FFFF;
	_ =	strace $0x9FFFFFFF  }
0xc3: {  	(tm) =	ssettm $0x7FFFFFFF  }
tec
execute0_lowered:
.L_overlay_start_1:
0x0: {  	(tag) =	ssettag $0x1  }
0x1: {  	s0 =	rddreg [dreg:$0x0]  }
0x2: {  	s2 =	srdreg.scid;
	s1 =	rddreg [dreg:$0x1]  }
0x3: {  	s10 =	stileid.u32;
	s23 =	simm.s32 $0x1;
	s28 =	simm.s32 $0x1000  }
0x4: {  	s29 =	simm.s32 $0x1800;
	s30 =	simm.s32 $0x2000;
	s31 =	simm.s32 $0x2800  }
0x5: {  	s15 =	simm.s32 $0x6000;
	s16 =	simm.s32 $0x6800;
	s17 =	simm.s32 $0x7000  }
0x6: {  	s18 =	simm.s32 $0x7800;
	s19 =	simm.s32 $0x8000;
	s20 =	simm.s32 $0x8800  }
0x7: {  	s21 =	simm.s32 $0x9000;
	s3 =	sand.u32 $0x1, s2;
	s2 =	simm.s32 $0x0  }
0x8: {  	s12 =	sshll.u32 s10, $0x9;
	s6 =	sadd.s32 $0x300, s1;
	s7 =	sadd.s32 $0x400, s1  }
0x9: {  	s8 =	sadd.s32 $0x500, s1;
	s9 =	sadd.s32 $0x600, s1;
	s14 =	sshll.u32 s10, $0x11  }
0xa: {  	s10 =	sadd.s32 $0x700, s1;
	s4 =	ssub.s32 $0x2, s3;
	[smem:$0x7FF] =	sst s2  }
0xb: {  	s13 =	sshll.u32 s3, $0x8;
	s0 =	sadd.s32 s14, s0;
	s3 =	sshll.u32 s3, $0x10  }
0xc: {  	s14 =	simm.s32 $0x5800;
	s5 =	sshrl.u32 s4, $0x1;
	_ =	strace $0x80000047  }
0xd: {  	s0 =	sadd.s32 s3, s0;
	s25 =	sor.u32 s13, s12;
	s3 =	simm.s32 $0x3800  }
0xe: {  	s12 =	simm.s32 $0x4800;
	s13 =	simm.s32 $0x5000;
	s11 =	ssub.s32 s4, s5  }
0xf: {  	v3 =	vlaneseq.u32;
	s4 =	sadd.s32 $0x100, s1;
	[dreg:$0x3] =	wrdreg s0;
	s26 =	sor.u32 $0x10, s25  }
0x10: {  	vm0 =	vmmov $0xffff;
	v0 =	vmul.u32 $0x4, v3;
	v2 =	vshrl.u32 v3, $0x3;
	s5 =	sadd.s32 $0x200, s1;
	s11 =	smax.u32 s11, $0x1;
	[dreg:$0x5] =	wrdreg s26  }
0x11: {  	v1 =	vand.u32 $0x7, v3;
	v3 =	vor.u32 $0x8, v3;
	v2 =	vmul.u32 $0x8, v2;
	s0 =	simm.s32 $0x0;
	[dreg:$0x4] =	wrdreg s11;
	s11 =	simm.s32 $0x4000  }
.LBB2_1:
0x12: {  	[dreg:$0x6] =	wrdreg s0  }
0x13: {  	s24 =	rddreg [dreg:$0x5];
	s25 =	simm.s32 $0x0  }
.LBB2_2:
0x14: {  	s26 =	rddreg [dreg:$0x3];
	s22 =	sadd.s32 $0xFFFFFFF0, s24  }
0x15: {  	s26 =	sadd.s32 s25, s26;
	v4 =	vmov s22;
	s22 =	simm.s32 $0x2  }
0x16: {  	[tilespmem:s2], [sflag:$0x2] =	stream.linear.gather [hbm4b:s26+s2], $0x10000, $0x38;
	[tilespmem:$0x10200] =	vst v63  }
0x17: {  	_ =	swait.ge [sflag:s22], $0x10000  }
0x18: {  	v4 =	vshll.u32 v4, $0x2;
	[sflag:s22] =	ssyncset.done $0x0  }
0x19: {  	v4 =	vor.u32 v0, v4;
	[sflag:s22] =	ssyncadd.s32 $0xFFFF0000  }
0x1a: {  	[tilespmem:$0x10000] =	vst v4  }
0x1b: {  	v5 =	vld [tilespmem:$0x10000];
	_ =	sdelay $0x4  }
0x1c: {  	v6 =	vshll.u32 v5, $0x4  }
0x1d: {  	v5 =	vand.u32 $0x7, v5;
	v6 =	vand.u32 $0xFFFFFF80, v6  }
0x1e: {  	v8 =	vmov s24;
	v7 =	vor.u32 $0x1, v4;
	v5 =	vor.u32 v5, v6  }
0x1f: {  	v60 =	vshll.u32 v8, $0x2;
	v59 =	vor.u32 $0x2, v4;
	[tilespmem:$0x10080] =	vst v7;
	v61 =	vperm.xlane v5, v1  }
0x20: {  	v62 =	vor.u32 v0, v60;
	[tilespmem:$0x10100] =	vst v59  }
0x21: {  	v4 =	vor.u32 $0x3, v4;
	[tilespmem:$0x10010] =	vst v62;
	v63 =	vadd.s32 v2, v61  }
0x22: {  	[tilespmem:$0x10180] =	vst v4;
	v4 =	vor.u32 $0x1, v62  }
0x23: {  	[tilespmem:$0x10090] =	vst v4;
	v4 =	vor.u32 $0x2, v62  }
0x24: {  	[tilespmem:$0x10110] =	vst v4;
	v4 =	vor.u32 $0x3, v62  }
0x25: {  	[tilespmem:$0x10190] =	vst v4  }
0x26: {  	[hbm4b:s1+s2] =	stream.indirect_vreg.scatter [tilespmem:s2], [sflag:$0x1], $0x80, v63, vm0, $0xb8;
	[tilespmem:$0x10200] =	vst v63  }
0x27: {  	s26 =	simm.s32 $0x800  }
0x28: {  	[hbm4b:s4+s2] =	stream.indirect_vreg.scatter [tilespmem:s26], [sflag:$0x1], $0x80, v63, vm0, $0xb8;
	[tilespmem:$0x10200] =	vst v63  }
0x29: {  	_ = 	snop  }
0x2a: {  	[hbm4b:s5+s2] =	stream.indirect_vreg.scatter [tilespmem:s28], [sflag:$0x1], $0x80, v63, vm0, $0xb8;
	[tilespmem:$0x10200] =	vst v63  }
0x2b: {  	_ = 	snop  }
0x2c: {  	[hbm4b:s6+s2] =	stream.indirect_vreg.scatter [tilespmem:s29], [sflag:$0x1], $0x80, v63, vm0, $0xb8;
	[tilespmem:$0x10200] =	vst v63  }
0x2d: {  	_ = 	snop  }
0x2e: {  	[hbm4b:s7+s2] =	stream.indirect_vreg.scatter [tilespmem:s30], [sflag:$0x1], $0x80, v63, vm0, $0xb8;
	[tilespmem:$0x10200] =	vst v63  }
0x2f: {  	v4 =	vperm.xlane v5, v3  }
0x30: {  	[hbm4b:s8+s2] =	stream.indirect_vreg.scatter [tilespmem:s31], [sflag:$0x1], $0x80, v63, vm0, $0xb8;
	[tilespmem:$0x10200] =	vst v63  }
0x31: {  	s0 =	simm.s32 $0x3000;
	v4 =	vadd.s32 v2, v4  }
0x32: {  	[hbm4b:s9+s2] =	stream.indirect_vreg.scatter [tilespmem:s0], [sflag:$0x1], $0x80, v63, vm0, $0xb8;
	[tilespmem:$0x10200] =	vst v63  }
0x33: {  	_ = 	snop  }
0x34: {  	[hbm4b:s10+s2] =	stream.indirect_vreg.scatter [tilespmem:s3], [sflag:$0x1], $0x80, v63, vm0, $0xb8;
	[tilespmem:$0x10200] =	vst v63  }
0x35: {  	_ = 	snop  }
0x36: {  	[hbm4b:s1+s2] =	stream.indirect_vreg.scatter [tilespmem:s11], [sflag:$0x1], $0x80, v4, vm0, $0xb8;
	[tilespmem:$0x10200] =	vst v63  }
0x37: {  	_ = 	snop  }
0x38: {  	[hbm4b:s4+s2] =	stream.indirect_vreg.scatter [tilespmem:s12], [sflag:$0x1], $0x80, v4, vm0, $0xb8;
	[tilespmem:$0x10200] =	vst v63  }
0x39: {  	_ = 	snop  }
0x3a: {  	[hbm4b:s5+s2] =	stream.indirect_vreg.scatter [tilespmem:s13], [sflag:$0x1], $0x80, v4, vm0, $0xb8;
	[tilespmem:$0x10200] =	vst v63  }
0x3b: {  	_ = 	snop  }
0x3c: {  	[hbm4b:s6+s2] =	stream.indirect_vreg.scatter [tilespmem:s14], [sflag:$0x1], $0x80, v4, vm0, $0xb8;
	[tilespmem:$0x10200] =	vst v63  }
0x3d: {  	_ = 	snop  }
0x3e: {  	[hbm4b:s7+s2] =	stream.indirect_vreg.scatter [tilespmem:s15], [sflag:$0x1], $0x80, v4, vm0, $0xb8;
	[tilespmem:$0x10200] =	vst v63  }
0x3f: {  	_ = 	snop  }
0x40: {  	[hbm4b:s8+s2] =	stream.indirect_vreg.scatter [tilespmem:s16], [sflag:$0x1], $0x80, v4, vm0, $0xb8;
	[tilespmem:$0x10200] =	vst v63  }
0x41: {  	_ = 	snop  }
0x42: {  	[hbm4b:s9+s2] =	stream.indirect_vreg.scatter [tilespmem:s17], [sflag:$0x1], $0x80, v4, vm0, $0xb8;
	[tilespmem:$0x10200] =	vst v63  }
0x43: {  	_ = 	snop  }
0x44: {  	[hbm4b:s10+s2] =	stream.indirect_vreg.scatter [tilespmem:s18], [sflag:$0x1], $0x80, v4, vm0, $0xb8;
	[tilespmem:$0x10200] =	vst v63  }
0x45: {  	v4 =	vld [tilespmem:$0x10010];
	_ =	sdelay $0x4  }
0x46: {  	v5 =	vshll.u32 v4, $0x4  }
0x47: {  	v4 =	vand.u32 $0x7, v4;
	v5 =	vand.u32 $0xFFFFFF80, v5  }
0x48: {  	v4 =	vor.u32 v4, v5  }
0x49: {  	v5 =	vperm.xlane v4, v1;
	_ =	sdelay $0x1  }
0x4a: {  	v5 =	vadd.s32 v2, v5;
	_ =	sdelay $0x4  }
0x4b: {  	[hbm4b:s1+s2] =	stream.indirect_vreg.scatter [tilespmem:s19], [sflag:$0x1], $0x80, v5, vm0, $0xb8;
	[tilespmem:$0x10200] =	vst v63  }
0x4c: {  	_ = 	snop  }
0x4d: {  	[hbm4b:s4+s2] =	stream.indirect_vreg.scatter [tilespmem:s20], [sflag:$0x1], $0x80, v5, vm0, $0xb8;
	[tilespmem:$0x10200] =	vst v63  }
0x4e: {  	_ = 	snop  }
0x4f: {  	[hbm4b:s5+s2] =	stream.indirect_vreg.scatter [tilespmem:s21], [sflag:$0x1], $0x80, v5, vm0, $0xb8;
	[tilespmem:$0x10200] =	vst v63  }
0x50: {  	s22 =	simm.s32 $0x9800  }
0x51: {  	[hbm4b:s6+s2] =	stream.indirect_vreg.scatter [tilespmem:s22], [sflag:$0x1], $0x80, v5, vm0, $0xb8;
	[tilespmem:$0x10200] =	vst v63  }
0x52: {  	s22 =	simm.s32 $0xA000  }
0x53: {  	[hbm4b:s7+s2] =	stream.indirect_vreg.scatter [tilespmem:s22], [sflag:$0x1], $0x80, v5, vm0, $0xb8;
	[tilespmem:$0x10200] =	vst v63  }
0x54: {  	v4 =	vperm.xlane v4, v3;
	s22 =	simm.s32 $0xA800  }
0x55: {  	[hbm4b:s8+s2] =	stream.indirect_vreg.scatter [tilespmem:s22], [sflag:$0x1], $0x80, v5, vm0, $0xb8;
	[tilespmem:$0x10200] =	vst v63  }
0x56: {  	v4 =	vadd.s32 v2, v4;
	s22 =	simm.s32 $0xB000  }
0x57: {  	[hbm4b:s9+s2] =	stream.indirect_vreg.scatter [tilespmem:s22], [sflag:$0x1], $0x80, v5, vm0, $0xb8;
	[tilespmem:$0x10200] =	vst v63  }
0x58: {  	s22 =	simm.s32 $0xB800  }
0x59: {  	[hbm4b:s10+s2] =	stream.indirect_vreg.scatter [tilespmem:s22], [sflag:$0x1], $0x80, v5, vm0, $0xb8;
	[tilespmem:$0x10200] =	vst v63  }
0x5a: {  	s22 =	simm.s32 $0xC000  }
0x5b: {  	[hbm4b:s1+s2] =	stream.indirect_vreg.scatter [tilespmem:s22], [sflag:$0x1], $0x80, v4, vm0, $0xb8;
	[tilespmem:$0x10200] =	vst v63  }
0x5c: {  	s22 =	simm.s32 $0xC800  }
0x5d: {  	[hbm4b:s4+s2] =	stream.indirect_vreg.scatter [tilespmem:s22], [sflag:$0x1], $0x80, v4, vm0, $0xb8;
	[tilespmem:$0x10200] =	vst v63  }
0x5e: {  	s22 =	simm.s32 $0xD000  }
0x5f: {  	[hbm4b:s5+s2] =	stream.indirect_vreg.scatter [tilespmem:s22], [sflag:$0x1], $0x80, v4, vm0, $0xb8;
	[tilespmem:$0x10200] =	vst v63  }
0x60: {  	s22 =	simm.s32 $0xD800  }
0x61: {  	[hbm4b:s6+s2] =	stream.indirect_vreg.scatter [tilespmem:s22], [sflag:$0x1], $0x80, v4, vm0, $0xb8;
	[tilespmem:$0x10200] =	vst v63  }
0x62: {  	s22 =	simm.s32 $0xE000  }
0x63: {  	[hbm4b:s7+s2] =	stream.indirect_vreg.scatter [tilespmem:s22], [sflag:$0x1], $0x80, v4, vm0, $0xb8;
	[tilespmem:$0x10200] =	vst v63  }
0x64: {  	s22 =	simm.s32 $0xE800  }
0x65: {  	[hbm4b:s8+s2] =	stream.indirect_vreg.scatter [tilespmem:s22], [sflag:$0x1], $0x80, v4, vm0, $0xb8;
	[tilespmem:$0x10200] =	vst v63  }
0x66: {  	s22 =	simm.s32 $0xF000  }
0x67: {  	[hbm4b:s9+s2] =	stream.indirect_vreg.scatter [tilespmem:s22], [sflag:$0x1], $0x80, v4, vm0, $0xb8;
	[tilespmem:$0x10200] =	vst v63  }
0x68: {  	s22 =	simm.s32 $0xF800  }
0x69: {  	[hbm4b:s10+s2] =	stream.indirect_vreg.scatter [tilespmem:s22], [sflag:$0x1], $0x80, v4, vm0, $0xb8;
	[tilespmem:$0x10200] =	vst v63  }
0x6a: {  	v4 =	vld [tilespmem:$0x10080];
	_ =	sdelay $0x4  }
0x6b: {  	v5 =	vshll.u32 v4, $0x4  }
0x6c: {  	v4 =	vand.u32 $0x7, v4;
	v5 =	vand.u32 $0xFFFFFF80, v5  }
0x6d: {  	v4 =	vor.u32 v4, v5  }
0x6e: {  	v5 =	vperm.xlane v4, v1;
	_ =	sdelay $0x1  }
0x6f: {  	v5 =	vadd.s32 v2, v5;
	_ =	sdelay $0x4  }
0x70: {  	[hbm4b:s1+s2] =	stream.indirect_vreg.scatter [tilespmem:s2], [sflag:$0x1], $0x80, v5, vm0, $0xb8;
	[tilespmem:$0x10200] =	vst v63  }
0x71: {  	_ = 	snop  }
0x72: {  	[hbm4b:s4+s2] =	stream.indirect_vreg.scatter [tilespmem:s26], [sflag:$0x1], $0x80, v5, vm0, $0xb8;
	[tilespmem:$0x10200] =	vst v63  }
0x73: {  	_ = 	snop  }
0x74: {  	[hbm4b:s5+s2] =	stream.indirect_vreg.scatter [tilespmem:s28], [sflag:$0x1], $0x80, v5, vm0, $0xb8;
	[tilespmem:$0x10200] =	vst v63  }
0x75: {  	_ = 	snop  }
0x76: {  	[hbm4b:s6+s2] =	stream.indirect_vreg.scatter [tilespmem:s29], [sflag:$0x1], $0x80, v5, vm0, $0xb8;
	[tilespmem:$0x10200] =	vst v63  }
0x77: {  	_ = 	snop  }
0x78: {  	[hbm4b:s7+s2] =	stream.indirect_vreg.scatter [tilespmem:s30], [sflag:$0x1], $0x80, v5, vm0, $0xb8;
	[tilespmem:$0x10200] =	vst v63  }
0x79: {  	v4 =	vperm.xlane v4, v3  }
0x7a: {  	[hbm4b:s8+s2] =	stream.indirect_vreg.scatter [tilespmem:s31], [sflag:$0x1], $0x80, v5, vm0, $0xb8;
	[tilespmem:$0x10200] =	vst v63  }
0x7b: {  	v4 =	vadd.s32 v2, v4  }
0x7c: {  	[hbm4b:s9+s2] =	stream.indirect_vreg.scatter [tilespmem:s0], [sflag:$0x1], $0x80, v5, vm0, $0xb8;
	[tilespmem:$0x10200] =	vst v63  }
0x7d: {  	_ = 	snop  }
0x7e: {  	[hbm4b:s10+s2] =	stream.indirect_vreg.scatter [tilespmem:s3], [sflag:$0x1], $0x80, v5, vm0, $0xb8;
	[tilespmem:$0x10200] =	vst v63  }
0x7f: {  	_ = 	snop  }
0x80: {  	[hbm4b:s1+s2] =	stream.indirect_vreg.scatter [tilespmem:s11], [sflag:$0x1], $0x80, v4, vm0, $0xb8;
	[tilespmem:$0x10200] =	vst v63  }
0x81: {  	_ = 	snop  }
0x82: {  	[hbm4b:s4+s2] =	stream.indirect_vreg.scatter [tilespmem:s12], [sflag:$0x1], $0x80, v4, vm0, $0xb8;
	[tilespmem:$0x10200] =	vst v63  }
0x83: {  	_ = 	snop  }
0x84: {  	[hbm4b:s5+s2] =	stream.indirect_vreg.scatter [tilespmem:s13], [sflag:$0x1], $0x80, v4, vm0, $0xb8;
	[tilespmem:$0x10200] =	vst v63  }
0x85: {  	_ = 	snop  }
0x86: {  	[hbm4b:s6+s2] =	stream.indirect_vreg.scatter [tilespmem:s14], [sflag:$0x1], $0x80, v4, vm0, $0xb8;
	[tilespmem:$0x10200] =	vst v63  }
0x87: {  	_ = 	snop  }
0x88: {  	[hbm4b:s7+s2] =	stream.indirect_vreg.scatter [tilespmem:s15], [sflag:$0x1], $0x80, v4, vm0, $0xb8;
	[tilespmem:$0x10200] =	vst v63  }
0x89: {  	_ = 	snop  }
0x8a: {  	[hbm4b:s8+s2] =	stream.indirect_vreg.scatter [tilespmem:s16], [sflag:$0x1], $0x80, v4, vm0, $0xb8;
	[tilespmem:$0x10200] =	vst v63  }
0x8b: {  	_ = 	snop  }
0x8c: {  	[hbm4b:s9+s2] =	stream.indirect_vreg.scatter [tilespmem:s17], [sflag:$0x1], $0x80, v4, vm0, $0xb8;
	[tilespmem:$0x10200] =	vst v63  }
0x8d: {  	_ = 	snop  }
0x8e: {  	[hbm4b:s10+s2] =	stream.indirect_vreg.scatter [tilespmem:s18], [sflag:$0x1], $0x80, v4, vm0, $0xb8;
	[tilespmem:$0x10200] =	vst v63  }
0x8f: {  	v4 =	vld [tilespmem:$0x10090];
	_ =	sdelay $0x4  }
0x90: {  	v5 =	vshll.u32 v4, $0x4  }
0x91: {  	v4 =	vand.u32 $0x7, v4;
	v5 =	vand.u32 $0xFFFFFF80, v5  }
0x92: {  	v4 =	vor.u32 v4, v5  }
0x93: {  	v5 =	vperm.xlane v4, v1;
	_ =	sdelay $0x1  }
0x94: {  	v5 =	vadd.s32 v2, v5;
	_ =	sdelay $0x4  }
0x95: {  	[hbm4b:s1+s2] =	stream.indirect_vreg.scatter [tilespmem:s19], [sflag:$0x1], $0x80, v5, vm0, $0xb8;
	[tilespmem:$0x10200] =	vst v63  }
0x96: {  	_ = 	snop  }
0x97: {  	[hbm4b:s4+s2] =	stream.indirect_vreg.scatter [tilespmem:s20], [sflag:$0x1], $0x80, v5, vm0, $0xb8;
	[tilespmem:$0x10200] =	vst v63  }
0x98: {  	_ = 	snop  }
0x99: {  	[hbm4b:s5+s2] =	stream.indirect_vreg.scatter [tilespmem:s21], [sflag:$0x1], $0x80, v5, vm0, $0xb8;
	[tilespmem:$0x10200] =	vst v63  }
0x9a: {  	s22 =	simm.s32 $0x9800  }
0x9b: {  	[hbm4b:s6+s2] =	stream.indirect_vreg.scatter [tilespmem:s22], [sflag:$0x1], $0x80, v5, vm0, $0xb8;
	[tilespmem:$0x10200] =	vst v63  }
0x9c: {  	s22 =	simm.s32 $0xA000  }
0x9d: {  	[hbm4b:s7+s2] =	stream.indirect_vreg.scatter [tilespmem:s22], [sflag:$0x1], $0x80, v5, vm0, $0xb8;
	[tilespmem:$0x10200] =	vst v63  }
0x9e: {  	v4 =	vperm.xlane v4, v3;
	s22 =	simm.s32 $0xA800  }
0x9f: {  	[hbm4b:s8+s2] =	stream.indirect_vreg.scatter [tilespmem:s22], [sflag:$0x1], $0x80, v5, vm0, $0xb8;
	[tilespmem:$0x10200] =	vst v63  }
0xa0: {  	v4 =	vadd.s32 v2, v4;
	s22 =	simm.s32 $0xB000  }
0xa1: {  	[hbm4b:s9+s2] =	stream.indirect_vreg.scatter [tilespmem:s22], [sflag:$0x1], $0x80, v5, vm0, $0xb8;
	[tilespmem:$0x10200] =	vst v63  }
0xa2: {  	s22 =	simm.s32 $0xB800  }
0xa3: {  	[hbm4b:s10+s2] =	stream.indirect_vreg.scatter [tilespmem:s22], [sflag:$0x1], $0x80, v5, vm0, $0xb8;
	[tilespmem:$0x10200] =	vst v63  }
0xa4: {  	s22 =	simm.s32 $0xC000  }
0xa5: {  	[hbm4b:s1+s2] =	stream.indirect_vreg.scatter [tilespmem:s22], [sflag:$0x1], $0x80, v4, vm0, $0xb8;
	[tilespmem:$0x10200] =	vst v63  }
0xa6: {  	s22 =	simm.s32 $0xC800  }
0xa7: {  	[hbm4b:s4+s2] =	stream.indirect_vreg.scatter [tilespmem:s22], [sflag:$0x1], $0x80, v4, vm0, $0xb8;
	[tilespmem:$0x10200] =	vst v63  }
0xa8: {  	s22 =	simm.s32 $0xD000  }
0xa9: {  	[hbm4b:s5+s2] =	stream.indirect_vreg.scatter [tilespmem:s22], [sflag:$0x1], $0x80, v4, vm0, $0xb8;
	[tilespmem:$0x10200] =	vst v63  }
0xaa: {  	s22 =	simm.s32 $0xD800  }
0xab: {  	[hbm4b:s6+s2] =	stream.indirect_vreg.scatter [tilespmem:s22], [sflag:$0x1], $0x80, v4, vm0, $0xb8;
	[tilespmem:$0x10200] =	vst v63  }
0xac: {  	s22 =	simm.s32 $0xE000  }
0xad: {  	[hbm4b:s7+s2] =	stream.indirect_vreg.scatter [tilespmem:s22], [sflag:$0x1], $0x80, v4, vm0, $0xb8;
	[tilespmem:$0x10200] =	vst v63  }
0xae: {  	s22 =	simm.s32 $0xE800  }
0xaf: {  	[hbm4b:s8+s2] =	stream.indirect_vreg.scatter [tilespmem:s22], [sflag:$0x1], $0x80, v4, vm0, $0xb8;
	[tilespmem:$0x10200] =	vst v63  }
0xb0: {  	s22 =	simm.s32 $0xF000  }
0xb1: {  	[hbm4b:s9+s2] =	stream.indirect_vreg.scatter [tilespmem:s22], [sflag:$0x1], $0x80, v4, vm0, $0xb8;
	[tilespmem:$0x10200] =	vst v63  }
0xb2: {  	s22 =	simm.s32 $0xF800  }
0xb3: {  	[hbm4b:s10+s2] =	stream.indirect_vreg.scatter [tilespmem:s22], [sflag:$0x1], $0x80, v4, vm0, $0xb8;
	[tilespmem:$0x10200] =	vst v63  }
0xb4: {  	v4 =	vld [tilespmem:$0x10100];
	_ =	sdelay $0x4  }
0xb5: {  	v5 =	vshll.u32 v4, $0x4  }
0xb6: {  	v4 =	vand.u32 $0x7, v4;
	v5 =	vand.u32 $0xFFFFFF80, v5  }
0xb7: {  	v4 =	vor.u32 v4, v5  }
0xb8: {  	v5 =	vperm.xlane v4, v1;
	_ =	sdelay $0x1  }
0xb9: {  	v5 =	vadd.s32 v2, v5;
	_ =	sdelay $0x4  }
0xba: {  	[hbm4b:s1+s2] =	stream.indirect_vreg.scatter [tilespmem:s2], [sflag:$0x1], $0x80, v5, vm0, $0xb8;
	[tilespmem:$0x10200] =	vst v63  }
0xbb: {  	_ = 	snop  }
0xbc: {  	[hbm4b:s4+s2] =	stream.indirect_vreg.scatter [tilespmem:s26], [sflag:$0x1], $0x80, v5, vm0, $0xb8;
	[tilespmem:$0x10200] =	vst v63  }
0xbd: {  	_ = 	snop  }
0xbe: {  	[hbm4b:s5+s2] =	stream.indirect_vreg.scatter [tilespmem:s28], [sflag:$0x1], $0x80, v5, vm0, $0xb8;
	[tilespmem:$0x10200] =	vst v63  }
0xbf: {  	_ = 	snop  }
0xc0: {  	[hbm4b:s6+s2] =	stream.indirect_vreg.scatter [tilespmem:s29], [sflag:$0x1], $0x80, v5, vm0, $0xb8;
	[tilespmem:$0x10200] =	vst v63  }
0xc1: {  	_ = 	snop  }
0xc2: {  	[hbm4b:s7+s2] =	stream.indirect_vreg.scatter [tilespmem:s30], [sflag:$0x1], $0x80, v5, vm0, $0xb8;
	[tilespmem:$0x10200] =	vst v63  }
0xc3: {  	v4 =	vperm.xlane v4, v3  }
0xc4: {  	[hbm4b:s8+s2] =	stream.indirect_vreg.scatter [tilespmem:s31], [sflag:$0x1], $0x80, v5, vm0, $0xb8;
	[tilespmem:$0x10200] =	vst v63  }
0xc5: {  	v4 =	vadd.s32 v2, v4  }
0xc6: {  	[hbm4b:s9+s2] =	stream.indirect_vreg.scatter [tilespmem:s0], [sflag:$0x1], $0x80, v5, vm0, $0xb8;
	[tilespmem:$0x10200] =	vst v63  }
0xc7: {  	_ = 	snop  }
0xc8: {  	[hbm4b:s10+s2] =	stream.indirect_vreg.scatter [tilespmem:s3], [sflag:$0x1], $0x80, v5, vm0, $0xb8;
	[tilespmem:$0x10200] =	vst v63  }
0xc9: {  	_ = 	snop  }
0xca: {  	[hbm4b:s1+s2] =	stream.indirect_vreg.scatter [tilespmem:s11], [sflag:$0x1], $0x80, v4, vm0, $0xb8;
	[tilespmem:$0x10200] =	vst v63  }
0xcb: {  	_ = 	snop  }
0xcc: {  	[hbm4b:s4+s2] =	stream.indirect_vreg.scatter [tilespmem:s12], [sflag:$0x1], $0x80, v4, vm0, $0xb8;
	[tilespmem:$0x10200] =	vst v63  }
0xcd: {  	_ = 	snop  }
0xce: {  	[hbm4b:s5+s2] =	stream.indirect_vreg.scatter [tilespmem:s13], [sflag:$0x1], $0x80, v4, vm0, $0xb8;
	[tilespmem:$0x10200] =	vst v63  }
0xcf: {  	_ = 	snop  }
0xd0: {  	[hbm4b:s6+s2] =	stream.indirect_vreg.scatter [tilespmem:s14], [sflag:$0x1], $0x80, v4, vm0, $0xb8;
	[tilespmem:$0x10200] =	vst v63  }
0xd1: {  	_ = 	snop  }
0xd2: {  	[hbm4b:s7+s2] =	stream.indirect_vreg.scatter [tilespmem:s15], [sflag:$0x1], $0x80, v4, vm0, $0xb8;
	[tilespmem:$0x10200] =	vst v63  }
0xd3: {  	_ = 	snop  }
0xd4: {  	[hbm4b:s8+s2] =	stream.indirect_vreg.scatter [tilespmem:s16], [sflag:$0x1], $0x80, v4, vm0, $0xb8;
	[tilespmem:$0x10200] =	vst v63  }
0xd5: {  	_ = 	snop  }
0xd6: {  	[hbm4b:s9+s2] =	stream.indirect_vreg.scatter [tilespmem:s17], [sflag:$0x1], $0x80, v4, vm0, $0xb8;
	[tilespmem:$0x10200] =	vst v63  }
0xd7: {  	_ = 	snop  }
0xd8: {  	[hbm4b:s10+s2] =	stream.indirect_vreg.scatter [tilespmem:s18], [sflag:$0x1], $0x80, v4, vm0, $0xb8;
	[tilespmem:$0x10200] =	vst v63  }
0xd9: {  	v4 =	vld [tilespmem:$0x10110];
	_ =	sdelay $0x4  }
0xda: {  	v5 =	vshll.u32 v4, $0x4  }
0xdb: {  	v4 =	vand.u32 $0x7, v4;
	v5 =	vand.u32 $0xFFFFFF80, v5  }
0xdc: {  	v4 =	vor.u32 v4, v5  }
0xdd: {  	v5 =	vperm.xlane v4, v1;
	_ =	sdelay $0x1  }
0xde: {  	v5 =	vadd.s32 v2, v5;
	_ =	sdelay $0x4  }
0xdf: {  	[hbm4b:s1+s2] =	stream.indirect_vreg.scatter [tilespmem:s19], [sflag:$0x1], $0x80, v5, vm0, $0xb8;
	[tilespmem:$0x10200] =	vst v63  }
0xe0: {  	_ = 	snop  }
0xe1: {  	[hbm4b:s4+s2] =	stream.indirect_vreg.scatter [tilespmem:s20], [sflag:$0x1], $0x80, v5, vm0, $0xb8;
	[tilespmem:$0x10200] =	vst v63  }
0xe2: {  	_ = 	snop  }
0xe3: {  	[hbm4b:s5+s2] =	stream.indirect_vreg.scatter [tilespmem:s21], [sflag:$0x1], $0x80, v5, vm0, $0xb8;
	[tilespmem:$0x10200] =	vst v63  }
0xe4: {  	s22 =	simm.s32 $0x9800  }
0xe5: {  	[hbm4b:s6+s2] =	stream.indirect_vreg.scatter [tilespmem:s22], [sflag:$0x1], $0x80, v5, vm0, $0xb8;
	[tilespmem:$0x10200] =	vst v63  }
0xe6: {  	s22 =	simm.s32 $0xA000  }
0xe7: {  	[hbm4b:s7+s2] =	stream.indirect_vreg.scatter [tilespmem:s22], [sflag:$0x1], $0x80, v5, vm0, $0xb8;
	[tilespmem:$0x10200] =	vst v63  }
0xe8: {  	v4 =	vperm.xlane v4, v3;
	s22 =	simm.s32 $0xA800  }
0xe9: {  	[hbm4b:s8+s2] =	stream.indirect_vreg.scatter [tilespmem:s22], [sflag:$0x1], $0x80, v5, vm0, $0xb8;
	[tilespmem:$0x10200] =	vst v63  }
0xea: {  	v4 =	vadd.s32 v2, v4;
	s22 =	simm.s32 $0xB000  }
0xeb: {  	[hbm4b:s9+s2] =	stream.indirect_vreg.scatter [tilespmem:s22], [sflag:$0x1], $0x80, v5, vm0, $0xb8;
	[tilespmem:$0x10200] =	vst v63  }
0xec: {  	s22 =	simm.s32 $0xB800  }
0xed: {  	[hbm4b:s10+s2] =	stream.indirect_vreg.scatter [tilespmem:s22], [sflag:$0x1], $0x80, v5, vm0, $0xb8;
	[tilespmem:$0x10200] =	vst v63  }
0xee: {  	s22 =	simm.s32 $0xC000  }
0xef: {  	[hbm4b:s1+s2] =	stream.indirect_vreg.scatter [tilespmem:s22], [sflag:$0x1], $0x80, v4, vm0, $0xb8;
	[tilespmem:$0x10200] =	vst v63  }
0xf0: {  	s22 =	simm.s32 $0xC800  }
0xf1: {  	[hbm4b:s4+s2] =	stream.indirect_vreg.scatter [tilespmem:s22], [sflag:$0x1], $0x80, v4, vm0, $0xb8;
	[tilespmem:$0x10200] =	vst v63  }
0xf2: {  	s22 =	simm.s32 $0xD000  }
0xf3: {  	[hbm4b:s5+s2] =	stream.indirect_vreg.scatter [tilespmem:s22], [sflag:$0x1], $0x80, v4, vm0, $0xb8;
	[tilespmem:$0x10200] =	vst v63  }
0xf4: {  	s22 =	simm.s32 $0xD800  }
0xf5: {  	[hbm4b:s6+s2] =	stream.indirect_vreg.scatter [tilespmem:s22], [sflag:$0x1], $0x80, v4, vm0, $0xb8;
	[tilespmem:$0x10200] =	vst v63  }
0xf6: {  	s22 =	simm.s32 $0xE000  }
0xf7: {  	[hbm4b:s7+s2] =	stream.indirect_vreg.scatter [tilespmem:s22], [sflag:$0x1], $0x80, v4, vm0, $0xb8;
	[tilespmem:$0x10200] =	vst v63  }
0xf8: {  	s22 =	simm.s32 $0xE800  }
0xf9: {  	[hbm4b:s8+s2] =	stream.indirect_vreg.scatter [tilespmem:s22], [sflag:$0x1], $0x80, v4, vm0, $0xb8;
	[tilespmem:$0x10200] =	vst v63  }
0xfa: {  	s22 =	simm.s32 $0xF000  }
0xfb: {  	[hbm4b:s9+s2] =	stream.indirect_vreg.scatter [tilespmem:s22], [sflag:$0x1], $0x80, v4, vm0, $0xb8;
	[tilespmem:$0x10200] =	vst v63  }
0xfc: {  	s22 =	simm.s32 $0xF800  }
0xfd: {  	[hbm4b:s10+s2] =	stream.indirect_vreg.scatter [tilespmem:s22], [sflag:$0x1], $0x80, v4, vm0, $0xb8;
	[tilespmem:$0x10200] =	vst v63  }
0xfe: {  	v4 =	vld [tilespmem:$0x10180];
	_ =	sdelay $0x4  }
0xff: {  	v5 =	vshll.u32 v4, $0x4  }
0x100: {  	v4 =	vand.u32 $0x7, v4;
	v5 =	vand.u32 $0xFFFFFF80, v5  }
0x101: {  	v4 =	vor.u32 v4, v5  }
0x102: {  	v5 =	vperm.xlane v4, v1;
	_ =	sdelay $0x1  }
0x103: {  	v5 =	vadd.s32 v2, v5;
	_ =	sdelay $0x4  }
0x104: {  	[hbm4b:s1+s2] =	stream.indirect_vreg.scatter [tilespmem:s2], [sflag:$0x1], $0x80, v5, vm0, $0xb8;
	[tilespmem:$0x10200] =	vst v63  }
0x105: {  	_ = 	snop  }
0x106: {  	[hbm4b:s4+s2] =	stream.indirect_vreg.scatter [tilespmem:s26], [sflag:$0x1], $0x80, v5, vm0, $0xb8;
	[tilespmem:$0x10200] =	vst v63  }
0x107: {  	s22 =	simm.s32 $0x1000  }
0x108: {  	[hbm4b:s5+s2] =	stream.indirect_vreg.scatter [tilespmem:s22], [sflag:$0x1], $0x80, v5, vm0, $0xb8;
	[tilespmem:$0x10200] =	vst v63  }
0x109: {  	s0 =	simm.s32 $0x1800  }
0x10a: {  	[hbm4b:s6+s2] =	stream.indirect_vreg.scatter [tilespmem:s0], [sflag:$0x1], $0x80, v5, vm0, $0xb8;
	[tilespmem:$0x10200] =	vst v63  }
0x10b: {  	s22 =	simm.s32 $0x2000  }
0x10c: {  	[hbm4b:s7+s2] =	stream.indirect_vreg.scatter [tilespmem:s22], [sflag:$0x1], $0x80, v5, vm0, $0xb8;
	[tilespmem:$0x10200] =	vst v63  }
0x10d: {  	v4 =	vperm.xlane v4, v3;
	s0 =	simm.s32 $0x2800  }
0x10e: {  	[hbm4b:s8+s2] =	stream.indirect_vreg.scatter [tilespmem:s0], [sflag:$0x1], $0x80, v5, vm0, $0xb8;
	[tilespmem:$0x10200] =	vst v63  }
0x10f: {  	v4 =	vadd.s32 v2, v4;
	s22 =	simm.s32 $0x3000  }
0x110: {  	[hbm4b:s9+s2] =	stream.indirect_vreg.scatter [tilespmem:s22], [sflag:$0x1], $0x80, v5, vm0, $0xb8;
	[tilespmem:$0x10200] =	vst v63  }
0x111: {  	s26 =	simm.s32 $0x3800  }
0x112: {  	[hbm4b:s10+s2] =	stream.indirect_vreg.scatter [tilespmem:s26], [sflag:$0x1], $0x80, v5, vm0, $0xb8;
	[tilespmem:$0x10200] =	vst v63  }
0x113: {  	s22 =	simm.s32 $0x4000  }
0x114: {  	[hbm4b:s1+s2] =	stream.indirect_vreg.scatter [tilespmem:s22], [sflag:$0x1], $0x80, v4, vm0, $0xb8;
	[tilespmem:$0x10200] =	vst v63  }
0x115: {  	s26 =	simm.s32 $0x4800  }
0x116: {  	[hbm4b:s4+s2] =	stream.indirect_vreg.scatter [tilespmem:s26], [sflag:$0x1], $0x80, v4, vm0, $0xb8;
	[tilespmem:$0x10200] =	vst v63  }
0x117: {  	s22 =	simm.s32 $0x5000  }
0x118: {  	[hbm4b:s5+s2] =	stream.indirect_vreg.scatter [tilespmem:s22], [sflag:$0x1], $0x80, v4, vm0, $0xb8;
	[tilespmem:$0x10200] =	vst v63  }
0x119: {  	s26 =	simm.s32 $0x5800  }
0x11a: {  	[hbm4b:s6+s2] =	stream.indirect_vreg.scatter [tilespmem:s26], [sflag:$0x1], $0x80, v4, vm0, $0xb8;
	[tilespmem:$0x10200] =	vst v63  }
0x11b: {  	s22 =	simm.s32 $0x6000  }
0x11c: {  	[hbm4b:s7+s2] =	stream.indirect_vreg.scatter [tilespmem:s22], [sflag:$0x1], $0x80, v4, vm0, $0xb8;
	[tilespmem:$0x10200] =	vst v63  }
0x11d: {  	s26 =	simm.s32 $0x6800  }
0x11e: {  	[hbm4b:s8+s2] =	stream.indirect_vreg.scatter [tilespmem:s26], [sflag:$0x1], $0x80, v4, vm0, $0xb8;
	[tilespmem:$0x10200] =	vst v63  }
0x11f: {  	s22 =	simm.s32 $0x7000  }
0x120: {  	[hbm4b:s9+s2] =	stream.indirect_vreg.scatter [tilespmem:s22], [sflag:$0x1], $0x80, v4, vm0, $0xb8;
	[tilespmem:$0x10200] =	vst v63  }
0x121: {  	s26 =	simm.s32 $0x7800  }
0x122: {  	[hbm4b:s10+s2] =	stream.indirect_vreg.scatter [tilespmem:s26], [sflag:$0x1], $0x80, v4, vm0, $0xb8;
	[tilespmem:$0x10200] =	vst v63  }
0x123: {  	v4 =	vld [tilespmem:$0x10190];
	_ =	sdelay $0x4  }
0x124: {  	v5 =	vshll.u32 v4, $0x4  }
0x125: {  	v4 =	vand.u32 $0x7, v4;
	v5 =	vand.u32 $0xFFFFFF80, v5  }
0x126: {  	v4 =	vor.u32 v4, v5  }
0x127: {  	v5 =	vperm.xlane v4, v1;
	_ =	sdelay $0x1  }
0x128: {  	v5 =	vadd.s32 v2, v5;
	_ =	sdelay $0x3  }
0x129: {  	s22 =	simm.s32 $0x8000  }
0x12a: {  	[hbm4b:s1+s2] =	stream.indirect_vreg.scatter [tilespmem:s22], [sflag:$0x1], $0x80, v5, vm0, $0xb8;
	[tilespmem:$0x10200] =	vst v63  }
0x12b: {  	s26 =	simm.s32 $0x8800  }
0x12c: {  	[hbm4b:s4+s2] =	stream.indirect_vreg.scatter [tilespmem:s26], [sflag:$0x1], $0x80, v5, vm0, $0xb8;
	[tilespmem:$0x10200] =	vst v63  }
0x12d: {  	s22 =	simm.s32 $0x9000  }
0x12e: {  	[hbm4b:s5+s2] =	stream.indirect_vreg.scatter [tilespmem:s22], [sflag:$0x1], $0x80, v5, vm0, $0xb8;
	[tilespmem:$0x10200] =	vst v63  }
0x12f: {  	s26 =	simm.s32 $0x9800  }
0x130: {  	[hbm4b:s6+s2] =	stream.indirect_vreg.scatter [tilespmem:s26], [sflag:$0x1], $0x80, v5, vm0, $0xb8;
	[tilespmem:$0x10200] =	vst v63  }
0x131: {  	s22 =	simm.s32 $0xA000  }
0x132: {  	[hbm4b:s7+s2] =	stream.indirect_vreg.scatter [tilespmem:s22], [sflag:$0x1], $0x80, v5, vm0, $0xb8;
	[tilespmem:$0x10200] =	vst v63  }
0x133: {  	v4 =	vperm.xlane v4, v3;
	s26 =	simm.s32 $0xA800  }
0x134: {  	[hbm4b:s8+s2] =	stream.indirect_vreg.scatter [tilespmem:s26], [sflag:$0x1], $0x80, v5, vm0, $0xb8;
	[tilespmem:$0x10200] =	vst v63  }
0x135: {  	v4 =	vadd.s32 v2, v4;
	s22 =	simm.s32 $0xB000  }
0x136: {  	[hbm4b:s9+s2] =	stream.indirect_vreg.scatter [tilespmem:s22], [sflag:$0x1], $0x80, v5, vm0, $0xb8;
	[tilespmem:$0x10200] =	vst v63  }
0x137: {  	s26 =	simm.s32 $0xB800  }
0x138: {  	[hbm4b:s10+s2] =	stream.indirect_vreg.scatter [tilespmem:s26], [sflag:$0x1], $0x80, v5, vm0, $0xb8;
	[tilespmem:$0x10200] =	vst v63  }
0x139: {  	s22 =	simm.s32 $0xC000  }
0x13a: {  	[hbm4b:s1+s2] =	stream.indirect_vreg.scatter [tilespmem:s22], [sflag:$0x1], $0x80, v4, vm0, $0xb8;
	[tilespmem:$0x10200] =	vst v63  }
0x13b: {  	s26 =	simm.s32 $0xC800  }
0x13c: {  	[hbm4b:s4+s2] =	stream.indirect_vreg.scatter [tilespmem:s26], [sflag:$0x1], $0x80, v4, vm0, $0xb8;
	[tilespmem:$0x10200] =	vst v63  }
0x13d: {  	s22 =	simm.s32 $0xD000  }
0x13e: {  	[hbm4b:s5+s2] =	stream.indirect_vreg.scatter [tilespmem:s22], [sflag:$0x1], $0x80, v4, vm0, $0xb8;
	[tilespmem:$0x10200] =	vst v63  }
0x13f: {  	s26 =	simm.s32 $0xD800  }
0x140: {  	[hbm4b:s6+s2] =	stream.indirect_vreg.scatter [tilespmem:s26], [sflag:$0x1], $0x80, v4, vm0, $0xb8;
	[tilespmem:$0x10200] =	vst v63  }
0x141: {  	s22 =	simm.s32 $0xE000  }
0x142: {  	[hbm4b:s7+s2] =	stream.indirect_vreg.scatter [tilespmem:s22], [sflag:$0x1], $0x80, v4, vm0, $0xb8;
	[tilespmem:$0x10200] =	vst v63  }
0x143: {  	s26 =	simm.s32 $0xE800  }
0x144: {  	[hbm4b:s8+s2] =	stream.indirect_vreg.scatter [tilespmem:s26], [sflag:$0x1], $0x80, v4, vm0, $0xb8;
	[tilespmem:$0x10200] =	vst v63  }
0x145: {  	s22 =	simm.s32 $0xF000  }
0x146: {  	[hbm4b:s9+s2] =	stream.indirect_vreg.scatter [tilespmem:s22], [sflag:$0x1], $0x80, v4, vm0, $0xb8;
	[tilespmem:$0x10200] =	vst v63  }
0x147: {  	s26 =	simm.s32 $0xF800  }
0x148: {  	[hbm4b:s10+s2] =	stream.indirect_vreg.scatter [tilespmem:s26], [sflag:$0x1], $0x80, v4, vm0, $0xb8;
	[tilespmem:$0x10200] =	vst v63  }
0x149: {  	_ =	swait.ge [sflag:s23], $0x10000  }
0x14a: {  	[sflag:s23] =	ssyncset.done $0x0  }
0x14b: {  	[sflag:s23] =	ssyncadd.s32 $0xFFFF0000  }
0x14c: {  	_ =	swait.ge [sflag:s23], $0x10000  }
0x14d: {  	[sflag:s23] =	ssyncset.done $0x0  }
0x14e: {  	[sflag:s23] =	ssyncadd.s32 $0xFFFF0000  }
0x14f: {  	p0 =	sne.s32 s25, $0xE000;
	_ =	swait.ge [sflag:s23], $0x10000  }
.Ltmp0:
0x150: {  	[sflag:s23] =	ssyncset.done $0x0;
	(pc) =	sbr.rel @p0 .LBB2_2-.Ltmp0, $4  }
0x151: {  	[sflag:s23] =	ssyncadd.s32 $0xFFFF0000  }
0x152: {  	_ =	swait.ge [sflag:s23], $0x10000  }
0x153: {  	[sflag:s23] =	ssyncset.done $0x0  }
0x154: {  	s24 =	sadd.s32 $0x20, s24;
	s25 =	sadd.s32 $0x2000, s25;
	[sflag:s23] =	ssyncadd.s32 $0xFFFF0000  }
0x155: {  	s0 =	rddreg [dreg:$0x6]  }
0x156: {  	s24 =	rddreg [dreg:$0x4];
	s0 =	sadd.s32 $0x1, s0  }
0x157: {  	p0 =	sne.s32 s0, s24  }
.Ltmp1:
0x158: {  	_ = 	snop;
	(pc) =	sbr.rel @p0 .LBB2_1-.Ltmp1, $1  }
0x159: {  	_ =	sdelay $0x3  }
0x15a: {  	_ =	sfence.sel $0x180000  }
0x15b: {  	[bflag:$0x0] =	sbarrier.arrive $0xFFFF  }
0x15c: {  	_ =	strace $0x90000047  }
0x15d: {  	s0 =	stileid.u32;
	[bflag:$0x2] =	sbarrier.arrive $0xFFFF  }
0x15e: {  	p0 =	sne.s32 s0, $0x0;
	s0 =	rddreg [dreg:$0x2]  }
0x15f: {  	s0 =	sadd.s32 @!p0 $0x100000, s0  }
0x160: {  	[sflag:s0] =	ssyncadd.tile.s32 @!p0 $0x1;
	_ =	shalt  }
.Lfunc_end2:
_tile_overlayer_lowered:
.L_overlay_start_2:
0x161: {  	(tag) =	ssettag $0x2  }
0x162: {  	s0 =	rddreg [dreg:$0x0];
	s2 =	stileid.u32  }
0x163: {  	s1 =	rddreg [dreg:$0x1];
	p0 =	sne.s32 s2, $0x0  }
0x164: {  	s3 =	rddreg [dreg:$0x2];
	[bflag:$0x3] =	sbarrier.arrive $0xFFFF;
	s2 =	simm.s32 @!p0 $0x1C02  }
0x165: {  	[timem:s3], [sflag:s2] =	dma.local @!p0 [hbm:s0], s1  }
0x166: {  	s0 =	simm.s32 @!p0 $0x2  }
0x167: {  	_ =	swait.ge @!p0 [sflag:s0], s1  }
0x168: {  	s1 =	ssub.s32 @!p0 $0x0, s1;
	[sflag:s0] =	ssyncset.done @!p0 $0x0  }
0x169: {  	[sflag:s0] =	ssyncadd.s32 @!p0 s1  }
0x16a: {  	[bflag:$0x3] =	sbarrier.arrive $0xFFFF  }
0x16b: {  	_ =	shalt  }

</sc_bundles>
